<compile_context>
chip_gen: v7x
topology: tpu7x:2x2x1
jax: 0.10.2.dev20260603
libtpu: 0.0.44.dev20260713+nightly
codegen_flags: <defaults>
</compile_context>

<pallas_src>
import functools

import jax
import jax.numpy as jnp
from jax import lax
from jax.experimental import pallas as pl
from jax.experimental.pallas import tpu as pltpu
from jax.experimental.pallas import tpu_sc as plsc

_NUM_CLASSES = 4
_VOXEL_X = 0.1
_VOXEL_Y = 0.1
_PCR_X = 0.0
_PCR_Y = -39.68
_NPAD = 512


_SC_CORES = 2
_SC_SUBCORES = 16
_SC_WORKERS = _SC_CORES * _SC_SUBCORES
_ZBUF = 16000


def _sc_zeros_kernel(total, out_ref, zbuf, sem):
    wid = lax.axis_index("s") * _SC_CORES + lax.axis_index("c")
    nz = _ZBUF // 16

    def zero_body(i, carry):
        zbuf[pl.ds(i * 16, 16)] = jnp.zeros((16,), jnp.float32)
        return carry

    lax.fori_loop(0, nz, zero_body, 0)
    per_w = total // _SC_WORKERS
    nchunk = per_w // _ZBUF
    base = wid * per_w
    copies = [
        pltpu.async_copy(zbuf, out_ref.at[pl.ds(base + k * _ZBUF, _ZBUF)],
                         sem)
        for k in range(nchunk)
    ]
    for cp in copies:
        cp.wait()


def _sc_zeros(total):
    mesh = plsc.VectorSubcoreMesh(core_axis_name="c", subcore_axis_name="s")
    return pl.kernel(
        functools.partial(_sc_zeros_kernel, total),
        mesh=mesh,
        out_type=jax.ShapeDtypeStruct((total,), jnp.float32),
        scratch_types=[
            pltpu.VMEM((_ZBUF,), jnp.float32),
            pltpu.SemaphoreType.DMA,
        ],
    )()


def _assign_kernel(gtb_ref, off_ref, z_ref, size_ref, yaw_ref,
                   vel_ref, mask_ref):
    H = off_ref.shape[2]
    W = off_ref.shape[3]
    g = gtb_ref[0]
    cx = g[0]
    cy = g[1]
    cz = g[2]
    bw = g[3]
    bl = g[4]
    bh = g[5]
    yaw = g[6]
    vx = g[8]
    vy = g[9]
    nonzero = (jnp.abs(cx) + jnp.abs(cy) + jnp.abs(cz)) > 0.0
    gx = (cx - _PCR_X) / _VOXEL_X
    gy = (cy - _PCR_Y) / _VOXEL_Y
    gxi = jnp.floor(gx).astype(jnp.int32)
    gyi = jnp.floor(gy).astype(jnp.int32)
    xo = gx - gxi.astype(jnp.float32)
    yo = gy - gyi.astype(jnp.float32)
    inb = (gxi >= 0) & (gxi < W) & (gyi >= 0) & (gyi < H)
    valid = nonzero & inb
    lin = jnp.where(valid, gyi * W + gxi, H * W)
    ii = jax.lax.broadcasted_iota(jnp.int32, (_NPAD, _NPAD), 0)
    jj = jax.lax.broadcasted_iota(jnp.int32, (_NPAD, _NPAD), 1)
    dup = (lin[None, :] == lin[:, None]) & (ii > jj)
    conflict = jnp.any(dup, axis=0)
    survive = valid & jnp.logical_not(conflict)
    sf = survive.astype(jnp.float32)
    ycol = jax.lax.broadcasted_iota(jnp.int32, (_NPAD, H), 1)
    xcol = jax.lax.broadcasted_iota(jnp.int32, (_NPAD, W), 1)
    R = jnp.where(gyi[:, None] == ycol, sf[:, None], 0.0)
    C = (gxi[:, None] == xcol).astype(jnp.float32)
    dn = (((0,), (0,)), ((), ()))

    def scat(v):
        return jax.lax.dot_general(R * v[:, None], C, dn,
                                   preferred_element_type=jnp.float32)

    off_ref[0, 0] = scat(xo)
    off_ref[0, 1] = scat(yo)
    z_ref[0, 0] = scat(cz)
    size_ref[0, 0] = scat(bw)
    size_ref[0, 1] = scat(bl)
    size_ref[0, 2] = scat(bh)
    yaw_ref[0, 0] = scat(jnp.sin(yaw))
    yaw_ref[0, 1] = scat(jnp.cos(yaw))
    vel_ref[0, 0] = scat(vx)
    vel_ref[0, 1] = scat(vy)
    mask_ref[0, 0] = jax.lax.dot_general(R, C, dn,
                                         preferred_element_type=jnp.float32)


def kernel(gt_boxes, spatial_features):
    B, N, F = gt_boxes.shape
    H, W = spatial_features.shape[-2], spatial_features.shape[-1]
    gt = jnp.transpose(gt_boxes, (0, 2, 1))
    gt = jnp.pad(gt, ((0, 0), (0, 16 - F), (0, _NPAD - N)))

    def ospec(c):
        return pl.BlockSpec((1, c, H, W), lambda b: (b, 0, 0, 0))

    def oshape(c):
        return jax.ShapeDtypeStruct((B, c, H, W), jnp.float32)

    off, zmap, size, yawm, velm, mask = pl.pallas_call(
        _assign_kernel,
        grid=(B,),
        in_specs=[pl.BlockSpec((1, 16, _NPAD), lambda b: (b, 0, 0))],
        out_specs=[ospec(2), ospec(1), ospec(3),
                   ospec(2), ospec(2), ospec(1)],
        out_shape=[oshape(2), oshape(1), oshape(3),
                   oshape(2), oshape(2), oshape(1)],
    )(gt)
    heatmap = _sc_zeros(B * _NUM_CLASSES * H * W).reshape(
        (B, _NUM_CLASSES, H, W))
    return (heatmap, off, zmap, size, yawm, velm, mask)

# --- scband reference (transcript-rebuilt; emitter-appended) ---
"""Pipeline reference for scband-target-assigner-45784351375629 (READ-ONLY COPY).

The authoritative reference and input builder live on the scoring server;
editing this copy changes nothing except your own understanding.
"""

import jax, jax.numpy as jnp
import numpy as np

NUM_CLASSES = 4
VOXEL_X = 0.1
VOXEL_Y = 0.1
PCR_X = 0.0
PCR_Y = -39.68


def setup_inputs(seed: int = 0) -> dict:
    key = jax.random.key(seed)
    k1, k2 = jax.random.split(key)
    gt_boxes = jax.random.normal(k1, (8, 500, 10), dtype=jnp.float32)
    spatial_features = jax.random.normal(k2, (8, 32, 400, 400), dtype=jnp.float32)
    return {"gt_boxes": gt_boxes, "spatial_features": spatial_features}


def _assign_single(gtb, H, W):
    # Faithful translation of the per-batch loop in TargetAssigner.forward.
    # The torch loop writes each valid box sequentially into the target maps
    # (last write wins on duplicate cells). We replicate that deterministically
    # by computing, per BEV cell, the LAST box index that maps to it via
    # segment_max over box order, then gathering that box's values.
    N = gtb.shape[0]
    nonzero = jnp.abs(gtb[:, 0:3]).sum(axis=1) > 0
    cx = gtb[:, 0]
    cy = gtb[:, 1]
    cz = gtb[:, 2]
    bw = gtb[:, 3]
    bl = gtb[:, 4]
    bh = gtb[:, 5]
    yaw = gtb[:, 6]
    vel = gtb[:, 8:10]
    gx = (cx - PCR_X) / VOXEL_X
    gy = (cy - PCR_Y) / VOXEL_Y
    gxi = jnp.floor(gx).astype(jnp.int32)
    gyi = jnp.floor(gy).astype(jnp.int32)
    xo = gx - gxi.astype(jnp.float32)
    yo = gy - gyi.astype(jnp.float32)
    inb = (gxi >= 0) & (gxi < W) & (gyi >= 0) & (gyi < H)
    valid = nonzero & inb
    lin = jnp.where(valid, gyi * W + gxi, H * W)  # invalid boxes -> dummy segment
    order = jnp.arange(N, dtype=jnp.int32)
    last = jax.ops.segment_max(order, lin, num_segments=H * W + 1)[: H * W]
    cell_valid = last >= 0  # empty segments get int32 min (negative)
    bidx = jnp.clip(last, 0, N - 1)

    def gather_map(v):
        return jnp.where(cell_valid, v[bidx], 0.0).reshape(H, W)

    off = jnp.stack([gather_map(xo), gather_map(yo)], axis=0)
    zmap = gather_map(cz)[None]
    size = jnp.stack([gather_map(bw), gather_map(bl), gather_map(bh)], axis=0)
    yawm = jnp.stack([gather_map(jnp.sin(yaw)), gather_map(jnp.cos(yaw))], axis=0)
    velm = jnp.stack([gather_map(vel[:, 0]), gather_map(vel[:, 1])], axis=0)
    mask = cell_valid.astype(jnp.float32).reshape(1, H, W)
    return off, zmap, size, yawm, velm, mask


def reference(gt_boxes, spatial_features):
    B = gt_boxes.shape[0]
    H, W = spatial_features.shape[-2], spatial_features.shape[-1]
    off, zmap, size, yawm, velm, mask = jax.vmap(lambda g: _assign_single(g, H, W))(gt_boxes)
    # NOTE: in the original torch code _generate_gaussian_heatmap reassigns a
    # local variable instead of writing in-place, so heatmap_targets remains
    # all zeros. We reproduce that exact semantics.
    heatmap = jnp.zeros((B, NUM_CLASSES, H, W), dtype=jnp.float32)
    return (heatmap, off, zmap, size, yawm, velm, mask)

if __name__ == "__main__":
    import jax
    _d = setup_inputs()
    print(jax.jit(kernel)(*tuple(_d.values())))

</pallas_src>

<mosaic_0001>
#map = affine_map<(d0, d1) -> (0)>
module attributes {stable_mosaic.version = 14 : i64} {
  func.func @_sc_zeros_kernel(%arg0: i32, %arg1: i32, %arg2: memref<5120000xf32, #tpu.memory_space<hbm>>, %arg3: memref<16000xf32, #tpu.memory_space<vmem>>, %arg4: memref<!tpu.dma_semaphore, #tpu.memory_space<semaphore_mem>>) attributes {dimension_semantics = [#tpu.dimension_semantics<core_parallel>, #tpu.dimension_semantics<subcore_parallel>], iteration_bounds = array<i64: 2, 16>, scalar_prefetch = 0 : i64, scratch_operands = 2 : i64, tpu.core_type = #tpu.core_type<sc_vector_subcore>, window_params = [{transform_indices = #map}]} {
    %mul3A = arith.constant 2 : i32
    %mul3A_0 = arith.muli %arg1, %mul3A : i32
    %add3A = arith.addi %mul3A_0, %arg0 : i32
    %scan3A = arith.constant 0 : i32
    %scan3A_1 = arith.constant 0 : i32
    %scan3A_2 = arith.constant 1000 : i32
    %scan3A_3 = arith.addi %scan3A_1, %scan3A_2 : i32
    %scan3A_4 = arith.constant 1 : i32
    scf.for %scan3A_66 = %scan3A_1 to %scan3A_3 step %scan3A_4  : i32 {
      %broadcast_in_dim3A = arith.constant 0.000000e+00 : f32
      %broadcast_in_dim3A_67 = vector.broadcast %broadcast_in_dim3A : f32 to vector<16xf32>
      %mul3A_68 = arith.constant 16 : i32
      %mul3A_69 = arith.muli %scan3A_66, %mul3A_68 : i32
      %swap3A = arith.index_cast %mul3A_69 : i32 to index
      %swap3A_70 = tpu.vector_load %arg3[%swap3A] {strides = array<i32>} : memref<16000xf32, #tpu.memory_space<vmem>>, vector<16xf32>,
      %swap3A_71 = vector.shape_cast %swap3A_70 : vector<16xf32> to vector<16xf32>
      %swap3A_72 = vector.shape_cast %broadcast_in_dim3A_67 : vector<16xf32> to vector<16xf32>
      tpu.vector_store %arg3[%swap3A], %swap3A_72 {strides = array<i32>} : memref<16000xf32, #tpu.memory_space<vmem>>, vector<16xf32>,
    }
    %scan3A_5 = arith.constant 1000 : i32
    %mul3A_6 = arith.constant 160000 : i32
    %mul3A_7 = arith.muli %add3A, %mul3A_6 : i32
    %add3A_8 = arith.constant 0 : i32
    %add3A_9 = arith.addi %mul3A_7, %add3A_8 : i32
    %dma_start3A = tpu.memref_slice %arg2[%add3A_9] : memref<5120000xf32, #tpu.memory_space<hbm>> -> memref<16000xf32, #tpu.memory_space<hbm>>
    %dma_start3A_10 = tpu.memref_slice %arg2[%add3A_9] : memref<5120000xf32, #tpu.memory_space<hbm>> -> memref<16000xf32, #tpu.memory_space<hbm>>
    tpu.enqueue_dma source(%arg3 : memref<16000xf32, #tpu.memory_space<vmem>>) target(%dma_start3A_10 : memref<16000xf32, #tpu.memory_space<hbm>>) target_semaphore(%arg4 : memref<!tpu.dma_semaphore, #tpu.memory_space<semaphore_mem>>)
    %add3A_11 = arith.constant 16000 : i32
    %add3A_12 = arith.addi %mul3A_7, %add3A_11 : i32
    %dma_start3A_13 = tpu.memref_slice %arg2[%add3A_12] : memref<5120000xf32, #tpu.memory_space<hbm>> -> memref<16000xf32, #tpu.memory_space<hbm>>
    %dma_start3A_14 = tpu.memref_slice %arg2[%add3A_12] : memref<5120000xf32, #tpu.memory_space<hbm>> -> memref<16000xf32, #tpu.memory_space<hbm>>
    tpu.enqueue_dma source(%arg3 : memref<16000xf32, #tpu.memory_space<vmem>>) target(%dma_start3A_14 : memref<16000xf32, #tpu.memory_space<hbm>>) target_semaphore(%arg4 : memref<!tpu.dma_semaphore, #tpu.memory_space<semaphore_mem>>)
    %add3A_15 = arith.constant 32000 : i32
    %add3A_16 = arith.addi %mul3A_7, %add3A_15 : i32
    %dma_start3A_17 = tpu.memref_slice %arg2[%add3A_16] : memref<5120000xf32, #tpu.memory_space<hbm>> -> memref<16000xf32, #tpu.memory_space<hbm>>
    %dma_start3A_18 = tpu.memref_slice %arg2[%add3A_16] : memref<5120000xf32, #tpu.memory_space<hbm>> -> memref<16000xf32, #tpu.memory_space<hbm>>
    tpu.enqueue_dma source(%arg3 : memref<16000xf32, #tpu.memory_space<vmem>>) target(%dma_start3A_18 : memref<16000xf32, #tpu.memory_space<hbm>>) target_semaphore(%arg4 : memref<!tpu.dma_semaphore, #tpu.memory_space<semaphore_mem>>)
    %add3A_19 = arith.constant 48000 : i32
    %add3A_20 = arith.addi %mul3A_7, %add3A_19 : i32
    %dma_start3A_21 = tpu.memref_slice %arg2[%add3A_20] : memref<5120000xf32, #tpu.memory_space<hbm>> -> memref<16000xf32, #tpu.memory_space<hbm>>
    %dma_start3A_22 = tpu.memref_slice %arg2[%add3A_20] : memref<5120000xf32, #tpu.memory_space<hbm>> -> memref<16000xf32, #tpu.memory_space<hbm>>
    tpu.enqueue_dma source(%arg3 : memref<16000xf32, #tpu.memory_space<vmem>>) target(%dma_start3A_22 : memref<16000xf32, #tpu.memory_space<hbm>>) target_semaphore(%arg4 : memref<!tpu.dma_semaphore, #tpu.memory_space<semaphore_mem>>)
    %add3A_23 = arith.constant 64000 : i32
    %add3A_24 = arith.addi %mul3A_7, %add3A_23 : i32
    %dma_start3A_25 = tpu.memref_slice %arg2[%add3A_24] : memref<5120000xf32, #tpu.memory_space<hbm>> -> memref<16000xf32, #tpu.memory_space<hbm>>
    %dma_start3A_26 = tpu.memref_slice %arg2[%add3A_24] : memref<5120000xf32, #tpu.memory_space<hbm>> -> memref<16000xf32, #tpu.memory_space<hbm>>
    tpu.enqueue_dma source(%arg3 : memref<16000xf32, #tpu.memory_space<vmem>>) target(%dma_start3A_26 : memref<16000xf32, #tpu.memory_space<hbm>>) target_semaphore(%arg4 : memref<!tpu.dma_semaphore, #tpu.memory_space<semaphore_mem>>)
    %add3A_27 = arith.constant 80000 : i32
    %add3A_28 = arith.addi %mul3A_7, %add3A_27 : i32
    %dma_start3A_29 = tpu.memref_slice %arg2[%add3A_28] : memref<5120000xf32, #tpu.memory_space<hbm>> -> memref<16000xf32, #tpu.memory_space<hbm>>
    %dma_start3A_30 = tpu.memref_slice %arg2[%add3A_28] : memref<5120000xf32, #tpu.memory_space<hbm>> -> memref<16000xf32, #tpu.memory_space<hbm>>
    tpu.enqueue_dma source(%arg3 : memref<16000xf32, #tpu.memory_space<vmem>>) target(%dma_start3A_30 : memref<16000xf32, #tpu.memory_space<hbm>>) target_semaphore(%arg4 : memref<!tpu.dma_semaphore, #tpu.memory_space<semaphore_mem>>)
    %add3A_31 = arith.constant 96000 : i32
    %add3A_32 = arith.addi %mul3A_7, %add3A_31 : i32
    %dma_start3A_33 = tpu.memref_slice %arg2[%add3A_32] : memref<5120000xf32, #tpu.memory_space<hbm>> -> memref<16000xf32, #tpu.memory_space<hbm>>
    %dma_start3A_34 = tpu.memref_slice %arg2[%add3A_32] : memref<5120000xf32, #tpu.memory_space<hbm>> -> memref<16000xf32, #tpu.memory_space<hbm>>
    tpu.enqueue_dma source(%arg3 : memref<16000xf32, #tpu.memory_space<vmem>>) target(%dma_start3A_34 : memref<16000xf32, #tpu.memory_space<hbm>>) target_semaphore(%arg4 : memref<!tpu.dma_semaphore, #tpu.memory_space<semaphore_mem>>)
    %add3A_35 = arith.constant 112000 : i32
    %add3A_36 = arith.addi %mul3A_7, %add3A_35 : i32
    %dma_start3A_37 = tpu.memref_slice %arg2[%add3A_36] : memref<5120000xf32, #tpu.memory_space<hbm>> -> memref<16000xf32, #tpu.memory_space<hbm>>
    %dma_start3A_38 = tpu.memref_slice %arg2[%add3A_36] : memref<5120000xf32, #tpu.memory_space<hbm>> -> memref<16000xf32, #tpu.memory_space<hbm>>
    tpu.enqueue_dma source(%arg3 : memref<16000xf32, #tpu.memory_space<vmem>>) target(%dma_start3A_38 : memref<16000xf32, #tpu.memory_space<hbm>>) target_semaphore(%arg4 : memref<!tpu.dma_semaphore, #tpu.memory_space<semaphore_mem>>)
    %add3A_39 = arith.constant 128000 : i32
    %add3A_40 = arith.addi %mul3A_7, %add3A_39 : i32
    %dma_start3A_41 = tpu.memref_slice %arg2[%add3A_40] : memref<5120000xf32, #tpu.memory_space<hbm>> -> memref<16000xf32, #tpu.memory_space<hbm>>
    %dma_start3A_42 = tpu.memref_slice %arg2[%add3A_40] : memref<5120000xf32, #tpu.memory_space<hbm>> -> memref<16000xf32, #tpu.memory_space<hbm>>
    tpu.enqueue_dma source(%arg3 : memref<16000xf32, #tpu.memory_space<vmem>>) target(%dma_start3A_42 : memref<16000xf32, #tpu.memory_space<hbm>>) target_semaphore(%arg4 : memref<!tpu.dma_semaphore, #tpu.memory_space<semaphore_mem>>)
    %add3A_43 = arith.constant 144000 : i32
    %add3A_44 = arith.addi %mul3A_7, %add3A_43 : i32
    %dma_start3A_45 = tpu.memref_slice %arg2[%add3A_44] : memref<5120000xf32, #tpu.memory_space<hbm>> -> memref<16000xf32, #tpu.memory_space<hbm>>
    %dma_start3A_46 = tpu.memref_slice %arg2[%add3A_44] : memref<5120000xf32, #tpu.memory_space<hbm>> -> memref<16000xf32, #tpu.memory_space<hbm>>
    tpu.enqueue_dma source(%arg3 : memref<16000xf32, #tpu.memory_space<vmem>>) target(%dma_start3A_46 : memref<16000xf32, #tpu.memory_space<hbm>>) target_semaphore(%arg4 : memref<!tpu.dma_semaphore, #tpu.memory_space<semaphore_mem>>)
    %dma_wait3A = tpu.memref_slice %arg2[%add3A_9] : memref<5120000xf32, #tpu.memory_space<hbm>> -> memref<16000xf32, #tpu.memory_space<hbm>>
    %dma_wait3A_47 = tpu.memref_slice %arg2[%add3A_9] : memref<5120000xf32, #tpu.memory_space<hbm>> -> memref<16000xf32, #tpu.memory_space<hbm>>
    tpu.wait_dma2 semaphore(%arg4 : memref<!tpu.dma_semaphore, #tpu.memory_space<semaphore_mem>>) src(%arg3 : memref<16000xf32, #tpu.memory_space<vmem>>) dst(%dma_wait3A_47 : memref<16000xf32, #tpu.memory_space<hbm>>)
    %dma_wait3A_48 = tpu.memref_slice %arg2[%add3A_12] : memref<5120000xf32, #tpu.memory_space<hbm>> -> memref<16000xf32, #tpu.memory_space<hbm>>
    %dma_wait3A_49 = tpu.memref_slice %arg2[%add3A_12] : memref<5120000xf32, #tpu.memory_space<hbm>> -> memref<16000xf32, #tpu.memory_space<hbm>>
    tpu.wait_dma2 semaphore(%arg4 : memref<!tpu.dma_semaphore, #tpu.memory_space<semaphore_mem>>) src(%arg3 : memref<16000xf32, #tpu.memory_space<vmem>>) dst(%dma_wait3A_49 : memref<16000xf32, #tpu.memory_space<hbm>>)
    %dma_wait3A_50 = tpu.memref_slice %arg2[%add3A_16] : memref<5120000xf32, #tpu.memory_space<hbm>> -> memref<16000xf32, #tpu.memory_space<hbm>>
    %dma_wait3A_51 = tpu.memref_slice %arg2[%add3A_16] : memref<5120000xf32, #tpu.memory_space<hbm>> -> memref<16000xf32, #tpu.memory_space<hbm>>
    tpu.wait_dma2 semaphore(%arg4 : memref<!tpu.dma_semaphore, #tpu.memory_space<semaphore_mem>>) src(%arg3 : memref<16000xf32, #tpu.memory_space<vmem>>) dst(%dma_wait3A_51 : memref<16000xf32, #tpu.memory_space<hbm>>)
    %dma_wait3A_52 = tpu.memref_slice %arg2[%add3A_20] : memref<5120000xf32, #tpu.memory_space<hbm>> -> memref<16000xf32, #tpu.memory_space<hbm>>
    %dma_wait3A_53 = tpu.memref_slice %arg2[%add3A_20] : memref<5120000xf32, #tpu.memory_space<hbm>> -> memref<16000xf32, #tpu.memory_space<hbm>>
    tpu.wait_dma2 semaphore(%arg4 : memref<!tpu.dma_semaphore, #tpu.memory_space<semaphore_mem>>) src(%arg3 : memref<16000xf32, #tpu.memory_space<vmem>>) dst(%dma_wait3A_53 : memref<16000xf32, #tpu.memory_space<hbm>>)
    %dma_wait3A_54 = tpu.memref_slice %arg2[%add3A_24] : memref<5120000xf32, #tpu.memory_space<hbm>> -> memref<16000xf32, #tpu.memory_space<hbm>>
    %dma_wait3A_55 = tpu.memref_slice %arg2[%add3A_24] : memref<5120000xf32, #tpu.memory_space<hbm>> -> memref<16000xf32, #tpu.memory_space<hbm>>
    tpu.wait_dma2 semaphore(%arg4 : memref<!tpu.dma_semaphore, #tpu.memory_space<semaphore_mem>>) src(%arg3 : memref<16000xf32, #tpu.memory_space<vmem>>) dst(%dma_wait3A_55 : memref<16000xf32, #tpu.memory_space<hbm>>)
    %dma_wait3A_56 = tpu.memref_slice %arg2[%add3A_28] : memref<5120000xf32, #tpu.memory_space<hbm>> -> memref<16000xf32, #tpu.memory_space<hbm>>
    %dma_wait3A_57 = tpu.memref_slice %arg2[%add3A_28] : memref<5120000xf32, #tpu.memory_space<hbm>> -> memref<16000xf32, #tpu.memory_space<hbm>>
    tpu.wait_dma2 semaphore(%arg4 : memref<!tpu.dma_semaphore, #tpu.memory_space<semaphore_mem>>) src(%arg3 : memref<16000xf32, #tpu.memory_space<vmem>>) dst(%dma_wait3A_57 : memref<16000xf32, #tpu.memory_space<hbm>>)
    %dma_wait3A_58 = tpu.memref_slice %arg2[%add3A_32] : memref<5120000xf32, #tpu.memory_space<hbm>> -> memref<16000xf32, #tpu.memory_space<hbm>>
    %dma_wait3A_59 = tpu.memref_slice %arg2[%add3A_32] : memref<5120000xf32, #tpu.memory_space<hbm>> -> memref<16000xf32, #tpu.memory_space<hbm>>
    tpu.wait_dma2 semaphore(%arg4 : memref<!tpu.dma_semaphore, #tpu.memory_space<semaphore_mem>>) src(%arg3 : memref<16000xf32, #tpu.memory_space<vmem>>) dst(%dma_wait3A_59 : memref<16000xf32, #tpu.memory_space<hbm>>)
    %dma_wait3A_60 = tpu.memref_slice %arg2[%add3A_36] : memref<5120000xf32, #tpu.memory_space<hbm>> -> memref<16000xf32, #tpu.memory_space<hbm>>
    %dma_wait3A_61 = tpu.memref_slice %arg2[%add3A_36] : memref<5120000xf32, #tpu.memory_space<hbm>> -> memref<16000xf32, #tpu.memory_space<hbm>>
    tpu.wait_dma2 semaphore(%arg4 : memref<!tpu.dma_semaphore, #tpu.memory_space<semaphore_mem>>) src(%arg3 : memref<16000xf32, #tpu.memory_space<vmem>>) dst(%dma_wait3A_61 : memref<16000xf32, #tpu.memory_space<hbm>>)
    %dma_wait3A_62 = tpu.memref_slice %arg2[%add3A_40] : memref<5120000xf32, #tpu.memory_space<hbm>> -> memref<16000xf32, #tpu.memory_space<hbm>>
    %dma_wait3A_63 = tpu.memref_slice %arg2[%add3A_40] : memref<5120000xf32, #tpu.memory_space<hbm>> -> memref<16000xf32, #tpu.memory_space<hbm>>
    tpu.wait_dma2 semaphore(%arg4 : memref<!tpu.dma_semaphore, #tpu.memory_space<semaphore_mem>>) src(%arg3 : memref<16000xf32, #tpu.memory_space<vmem>>) dst(%dma_wait3A_63 : memref<16000xf32, #tpu.memory_space<hbm>>)
    %dma_wait3A_64 = tpu.memref_slice %arg2[%add3A_44] : memref<5120000xf32, #tpu.memory_space<hbm>> -> memref<16000xf32, #tpu.memory_space<hbm>>
    %dma_wait3A_65 = tpu.memref_slice %arg2[%add3A_44] : memref<5120000xf32, #tpu.memory_space<hbm>> -> memref<16000xf32, #tpu.memory_space<hbm>>
    tpu.wait_dma2 semaphore(%arg4 : memref<!tpu.dma_semaphore, #tpu.memory_space<semaphore_mem>>) src(%arg3 : memref<16000xf32, #tpu.memory_space<vmem>>) dst(%dma_wait3A_65 : memref<16000xf32, #tpu.memory_space<hbm>>)
    return
  }
}

module attributes {stable_mosaic.version = 14 : i64} {
  func.func @_assign_kernel(%arg0: i32, %arg1: memref<1x16x512xf32, #tpu.memory_space<vmem>>, %arg2: memref<1x2x400x400xf32, #tpu.memory_space<vmem>>, %arg3: memref<1x1x400x400xf32, #tpu.memory_space<vmem>>, %arg4: memref<1x3x400x400xf32, #tpu.memory_space<vmem>>, %arg5: memref<1x2x400x400xf32, #tpu.memory_space<vmem>>, %arg6: memref<1x2x400x400xf32, #tpu.memory_space<vmem>>, %arg7: memref<1x1x400x400xf32, #tpu.memory_space<vmem>>) attributes {dimension_semantics = [#tpu.dimension_semantics<arbitrary>], iteration_bounds = array<i64: 8>, scalar_prefetch = 0 : i64, scratch_operands = 0 : i64, tpu.core_type = #tpu.core_type<tc>, window_params = [{transform_indices = @transform_0, window_bounds = array<i64: 1, 16, 512>}, {transform_indices = @transform_1, window_bounds = array<i64: 1, 2, 400, 400>}, {transform_indices = @transform_2, window_bounds = array<i64: 1, 1, 400, 400>}, {transform_indices = @transform_3, window_bounds = array<i64: 1, 3, 400, 400>}, {transform_indices = @transform_4, window_bounds = array<i64: 1, 2, 400, 400>}, {transform_indices = @transform_5, window_bounds = array<i64: 1, 2, 400, 400>}, {transform_indices = @transform_6, window_bounds = array<i64: 1, 1, 400, 400>}]} {
    %get3A = arith.constant 0 : index
    %get3A_0 = arith.constant 0 : index
    %get3A_1 = arith.constant 0 : index
    %get3A_2 = vector.load %arg1[%get3A, %get3A_0, %get3A_1] : memref<1x16x512xf32, #tpu.memory_space<vmem>>, vector<1x16x512xf32>
    %get3A_3 = vector.shape_cast %get3A_2 : vector<1x16x512xf32> to vector<16x512xf32>
    %slice3A = vector.extract_strided_slice %get3A_3 {offsets = [0, 0], sizes = [1, 512], strides = [1, 1]} : vector<16x512xf32> to vector<1x512xf32>
    %squeeze3A = vector.shape_cast %slice3A : vector<1x512xf32> to vector<512xf32>
    %slice3A_4 = vector.extract_strided_slice %get3A_3 {offsets = [1, 0], sizes = [1, 512], strides = [1, 1]} : vector<16x512xf32> to vector<1x512xf32>
    %squeeze3A_5 = vector.shape_cast %slice3A_4 : vector<1x512xf32> to vector<512xf32>
    %slice3A_6 = vector.extract_strided_slice %get3A_3 {offsets = [2, 0], sizes = [1, 512], strides = [1, 1]} : vector<16x512xf32> to vector<1x512xf32>
    %squeeze3A_7 = vector.shape_cast %slice3A_6 : vector<1x512xf32> to vector<512xf32>
    %slice3A_8 = vector.extract_strided_slice %get3A_3 {offsets = [3, 0], sizes = [1, 512], strides = [1, 1]} : vector<16x512xf32> to vector<1x512xf32>
    %squeeze3A_9 = vector.shape_cast %slice3A_8 : vector<1x512xf32> to vector<512xf32>
    %slice3A_10 = vector.extract_strided_slice %get3A_3 {offsets = [4, 0], sizes = [1, 512], strides = [1, 1]} : vector<16x512xf32> to vector<1x512xf32>
    %squeeze3A_11 = vector.shape_cast %slice3A_10 : vector<1x512xf32> to vector<512xf32>
    %slice3A_12 = vector.extract_strided_slice %get3A_3 {offsets = [5, 0], sizes = [1, 512], strides = [1, 1]} : vector<16x512xf32> to vector<1x512xf32>
    %squeeze3A_13 = vector.shape_cast %slice3A_12 : vector<1x512xf32> to vector<512xf32>
    %slice3A_14 = vector.extract_strided_slice %get3A_3 {offsets = [6, 0], sizes = [1, 512], strides = [1, 1]} : vector<16x512xf32> to vector<1x512xf32>
    %squeeze3A_15 = vector.shape_cast %slice3A_14 : vector<1x512xf32> to vector<512xf32>
    %slice3A_16 = vector.extract_strided_slice %get3A_3 {offsets = [8, 0], sizes = [1, 512], strides = [1, 1]} : vector<16x512xf32> to vector<1x512xf32>
    %squeeze3A_17 = vector.shape_cast %slice3A_16 : vector<1x512xf32> to vector<512xf32>
    %slice3A_18 = vector.extract_strided_slice %get3A_3 {offsets = [9, 0], sizes = [1, 512], strides = [1, 1]} : vector<16x512xf32> to vector<1x512xf32>
    %squeeze3A_19 = vector.shape_cast %slice3A_18 : vector<1x512xf32> to vector<512xf32>
    %abs3A = math.absf %squeeze3A : vector<512xf32>
    %abs3A_20 = math.absf %squeeze3A_5 : vector<512xf32>
    %add3A = arith.addf %abs3A, %abs3A_20 : vector<512xf32>
    %abs3A_21 = math.absf %squeeze3A_7 : vector<512xf32>
    %add3A_22 = arith.addf %add3A, %abs3A_21 : vector<512xf32>
    %gt3A = arith.constant 0.000000e+00 : f32
    %gt3A_23 = vector.broadcast %gt3A : f32 to vector<512xf32>
    %gt3A_24 = arith.cmpf ogt, %add3A_22, %gt3A_23 : vector<512xf32>
    %sub3A = arith.constant 0.000000e+00 : f32
    %sub3A_25 = vector.broadcast %sub3A : f32 to vector<512xf32>
    %sub3A_26 = arith.subf %squeeze3A, %sub3A_25 : vector<512xf32>
    %div3A = arith.constant 1.000000e-01 : f32
    %div3A_27 = vector.broadcast %div3A : f32 to vector<512xf32>
    %div3A_28 = arith.divf %sub3A_26, %div3A_27 : vector<512xf32>
    %sub3A_29 = arith.constant -3.968000e+01 : f32
    %sub3A_30 = vector.broadcast %sub3A_29 : f32 to vector<512xf32>
    %sub3A_31 = arith.subf %squeeze3A_5, %sub3A_30 : vector<512xf32>
    %div3A_32 = arith.constant 1.000000e-01 : f32
    %div3A_33 = vector.broadcast %div3A_32 : f32 to vector<512xf32>
    %div3A_34 = arith.divf %sub3A_31, %div3A_33 : vector<512xf32>
    %floor3A = math.floor %div3A_28 : vector<512xf32>
    %convert_element_type3A = arith.fptosi %floor3A : vector<512xf32> to vector<512xi32>
    %floor3A_35 = math.floor %div3A_34 : vector<512xf32>
    %convert_element_type3A_36 = arith.fptosi %floor3A_35 : vector<512xf32> to vector<512xi32>
    %convert_element_type3A_37 = arith.sitofp %convert_element_type3A : vector<512xi32> to vector<512xf32>
    %sub3A_38 = arith.subf %div3A_28, %convert_element_type3A_37 : vector<512xf32>
    %convert_element_type3A_39 = arith.sitofp %convert_element_type3A_36 : vector<512xi32> to vector<512xf32>
    %sub3A_40 = arith.subf %div3A_34, %convert_element_type3A_39 : vector<512xf32>
    %ge3A = arith.constant 0 : i32
    %ge3A_41 = vector.broadcast %ge3A : i32 to vector<512xi32>
    %ge3A_42 = arith.cmpi sge, %convert_element_type3A, %ge3A_41 : vector<512xi32>
    %lt3A = arith.constant 400 : i32
    %lt3A_43 = vector.broadcast %lt3A : i32 to vector<512xi32>
    %lt3A_44 = arith.cmpi slt, %convert_element_type3A, %lt3A_43 : vector<512xi32>
    %and3A = arith.andi %ge3A_42, %lt3A_44 : vector<512xi1>
    %ge3A_45 = arith.constant 0 : i32
    %ge3A_46 = vector.broadcast %ge3A_45 : i32 to vector<512xi32>
    %ge3A_47 = arith.cmpi sge, %convert_element_type3A_36, %ge3A_46 : vector<512xi32>
    %and3A_48 = arith.andi %and3A, %ge3A_47 : vector<512xi1>
    %lt3A_49 = arith.constant 400 : i32
    %lt3A_50 = vector.broadcast %lt3A_49 : i32 to vector<512xi32>
    %lt3A_51 = arith.cmpi slt, %convert_element_type3A_36, %lt3A_50 : vector<512xi32>
    %and3A_52 = arith.andi %and3A_48, %lt3A_51 : vector<512xi1>
    %and3A_53 = arith.andi %gt3A_24, %and3A_52 : vector<512xi1>
    %mul3A = arith.constant 400 : i32
    %mul3A_54 = vector.broadcast %mul3A : i32 to vector<512xi32>
    %mul3A_55 = arith.muli %convert_element_type3A_36, %mul3A_54 : vector<512xi32>
    %add3A_56 = arith.addi %mul3A_55, %convert_element_type3A : vector<512xi32>
    %jit3A = arith.constant 160000 : i32
    %broadcast_in_dim3A = vector.broadcast %jit3A : i32 to vector<512xi32>
    %select_n3A = arith.select %and3A_53, %add3A_56, %broadcast_in_dim3A : vector<512xi1>, vector<512xi32>
    %iota3A = tpu.iota {dimensions = array<i32: 0>} : vector<512x512xi32>
    %iota3A_57 = tpu.iota {dimensions = array<i32: 1>} : vector<512x512xi32>
    %broadcast_in_dim3A_58 = vector.shape_cast %select_n3A : vector<512xi32> to vector<1x512xi32>
    %broadcast_in_dim3A_59 = vector.shape_cast %select_n3A : vector<512xi32> to vector<512x1xi32>
    %eq3A = vector.broadcast %broadcast_in_dim3A_58 : vector<1x512xi32> to vector<512x512xi32>
    %eq3A_60 = vector.broadcast %broadcast_in_dim3A_59 : vector<512x1xi32> to vector<512x512xi32>
    %eq3A_61 = arith.cmpi eq, %eq3A, %eq3A_60 : vector<512x512xi32>
    %gt3A_62 = arith.cmpi sgt, %iota3A, %iota3A_57 : vector<512x512xi32>
    %and3A_63 = arith.andi %eq3A_61, %gt3A_62 : vector<512x512xi1>
    %reduce_or3A = arith.constant 1.000000e+00 : f32
    %reduce_or3A_64 = arith.constant 0.000000e+00 : f32
    %reduce_or3A_65 = vector.broadcast %reduce_or3A : f32 to vector<512x512xf32>
    %reduce_or3A_66 = vector.broadcast %reduce_or3A_64 : f32 to vector<512x512xf32>
    %reduce_or3A_67 = arith.select %and3A_63, %reduce_or3A_65, %reduce_or3A_66 : vector<512x512xi1>, vector<512x512xf32>
    %reduce_or3A_68 = arith.constant dense<0xFF800000> : vector<512xf32>
    %reduce_or3A_69 = vector.multi_reduction <maximumf>, %reduce_or3A_67, %reduce_or3A_68 [0] : vector<512x512xf32> to vector<512xf32>
    %reduce_or3A_70 = arith.constant 0.000000e+00 : f32
    %reduce_or3A_71 = vector.broadcast %reduce_or3A_70 : f32 to vector<512xf32>
    %reduce_or3A_72 = arith.cmpf ogt, %reduce_or3A_69, %reduce_or3A_71 : vector<512xf32>
    %not3A = arith.constant dense<true> : vector<512xi1>
    %not3A_73 = arith.xori %reduce_or3A_72, %not3A : vector<512xi1>
    %and3A_74 = arith.andi %and3A_53, %not3A_73 : vector<512xi1>
    %convert_element_type3A_75 = arith.extui %and3A_74 : vector<512xi1> to vector<512xi32>
    %convert_element_type3A_76 = arith.sitofp %convert_element_type3A_75 : vector<512xi32> to vector<512xf32>
    %iota3A_77 = tpu.iota {dimensions = array<i32: 1>} : vector<512x400xi32>
    %iota3A_78 = tpu.iota {dimensions = array<i32: 1>} : vector<512x400xi32>
    %broadcast_in_dim3A_79 = vector.shape_cast %convert_element_type3A_36 : vector<512xi32> to vector<512x1xi32>
    %eq3A_80 = vector.broadcast %broadcast_in_dim3A_79 : vector<512x1xi32> to vector<512x400xi32>
    %eq3A_81 = arith.cmpi eq, %eq3A_80, %iota3A_77 : vector<512x400xi32>
    %broadcast_in_dim3A_82 = vector.shape_cast %convert_element_type3A_76 : vector<512xf32> to vector<512x1xf32>
    %jit3A_83 = arith.constant 0.000000e+00 : f32
    %broadcast_in_dim3A_84 = vector.shape_cast %broadcast_in_dim3A_82 : vector<512x1xf32> to vector<512x1xf32>
    %broadcast_in_dim3A_85 = vector.broadcast %broadcast_in_dim3A_84 : vector<512x1xf32> to vector<512x400xf32>
    %broadcast_in_dim3A_86 = vector.broadcast %jit3A_83 : f32 to vector<512x400xf32>
    %select_n3A_87 = arith.select %eq3A_81, %broadcast_in_dim3A_85, %broadcast_in_dim3A_86 : vector<512x400xi1>, vector<512x400xf32>
    %broadcast_in_dim3A_88 = vector.shape_cast %convert_element_type3A : vector<512xi32> to vector<512x1xi32>
    %eq3A_89 = vector.broadcast %broadcast_in_dim3A_88 : vector<512x1xi32> to vector<512x400xi32>
    %eq3A_90 = arith.cmpi eq, %eq3A_89, %iota3A_78 : vector<512x400xi32>
    %convert_element_type3A_91 = arith.extui %eq3A_90 : vector<512x400xi1> to vector<512x400xi32>
    %convert_element_type3A_92 = arith.sitofp %convert_element_type3A_91 : vector<512x400xi32> to vector<512x400xf32>
    %broadcast_in_dim3A_93 = vector.shape_cast %sub3A_38 : vector<512xf32> to vector<512x1xf32>
    %mul3A_94 = vector.broadcast %broadcast_in_dim3A_93 : vector<512x1xf32> to vector<512x400xf32>
    %mul3A_95 = arith.mulf %select_n3A_87, %mul3A_94 : vector<512x400xf32>
    %dot_general3A = arith.constant dense<0.000000e+00> : vector<400x400xf32>
    %dot_general3A_96 = tpu.matmul %mul3A_95, %convert_element_type3A_92, %dot_general3A {dimension_numbers = #tpu.dot_dimension_numbers<[0], [0], [1], [1], [0, 1, 1, 1], [], []>, transpose_lhs_hint = false} : vector<512x400xf32>, vector<512x400xf32>, vector<400x400xf32> -> vector<400x400xf32>
    %swap3A = arith.constant 0 : index
    %swap3A_97 = arith.constant 0 : index
    %swap3A_98 = arith.constant 0 : index
    %swap3A_99 = arith.constant 0 : index
    %swap3A_100 = vector.load %arg2[%swap3A, %swap3A_97, %swap3A_98, %swap3A_99] : memref<1x2x400x400xf32, #tpu.memory_space<vmem>>, vector<1x1x400x400xf32>
    %swap3A_101 = vector.shape_cast %swap3A_100 : vector<1x1x400x400xf32> to vector<400x400xf32>
    %swap3A_102 = vector.shape_cast %dot_general3A_96 : vector<400x400xf32> to vector<1x1x400x400xf32>
    tpu.vector_store %arg2[%swap3A, %swap3A_97, %swap3A_98, %swap3A_99], %swap3A_102 {strides = array<i32>} : memref<1x2x400x400xf32, #tpu.memory_space<vmem>>, vector<1x1x400x400xf32>,
    %broadcast_in_dim3A_103 = vector.shape_cast %sub3A_40 : vector<512xf32> to vector<512x1xf32>
    %mul3A_104 = vector.broadcast %broadcast_in_dim3A_103 : vector<512x1xf32> to vector<512x400xf32>
    %mul3A_105 = arith.mulf %select_n3A_87, %mul3A_104 : vector<512x400xf32>
    %dot_general3A_106 = arith.constant dense<0.000000e+00> : vector<400x400xf32>
    %dot_general3A_107 = tpu.matmul %mul3A_105, %convert_element_type3A_92, %dot_general3A_106 {dimension_numbers = #tpu.dot_dimension_numbers<[0], [0], [1], [1], [0, 1, 1, 1], [], []>, transpose_lhs_hint = false} : vector<512x400xf32>, vector<512x400xf32>, vector<400x400xf32> -> vector<400x400xf32>
    %swap3A_108 = arith.constant 0 : index
    %swap3A_109 = arith.constant 1 : index
    %swap3A_110 = arith.constant 0 : index
    %swap3A_111 = arith.constant 0 : index
    %swap3A_112 = vector.load %arg2[%swap3A_108, %swap3A_109, %swap3A_110, %swap3A_111] : memref<1x2x400x400xf32, #tpu.memory_space<vmem>>, vector<1x1x400x400xf32>
    %swap3A_113 = vector.shape_cast %swap3A_112 : vector<1x1x400x400xf32> to vector<400x400xf32>
    %swap3A_114 = vector.shape_cast %dot_general3A_107 : vector<400x400xf32> to vector<1x1x400x400xf32>
    tpu.vector_store %arg2[%swap3A_108, %swap3A_109, %swap3A_110, %swap3A_111], %swap3A_114 {strides = array<i32>} : memref<1x2x400x400xf32, #tpu.memory_space<vmem>>, vector<1x1x400x400xf32>,
    %broadcast_in_dim3A_115 = vector.shape_cast %squeeze3A_7 : vector<512xf32> to vector<512x1xf32>
    %mul3A_116 = vector.broadcast %broadcast_in_dim3A_115 : vector<512x1xf32> to vector<512x400xf32>
    %mul3A_117 = arith.mulf %select_n3A_87, %mul3A_116 : vector<512x400xf32>
    %dot_general3A_118 = arith.constant dense<0.000000e+00> : vector<400x400xf32>
    %dot_general3A_119 = tpu.matmul %mul3A_117, %convert_element_type3A_92, %dot_general3A_118 {dimension_numbers = #tpu.dot_dimension_numbers<[0], [0], [1], [1], [0, 1, 1, 1], [], []>, transpose_lhs_hint = false} : vector<512x400xf32>, vector<512x400xf32>, vector<400x400xf32> -> vector<400x400xf32>
    %swap3A_120 = arith.constant 0 : index
    %swap3A_121 = arith.constant 0 : index
    %swap3A_122 = arith.constant 0 : index
    %swap3A_123 = arith.constant 0 : index
    %swap3A_124 = vector.load %arg3[%swap3A_120, %swap3A_121, %swap3A_122, %swap3A_123] : memref<1x1x400x400xf32, #tpu.memory_space<vmem>>, vector<1x1x400x400xf32>
    %swap3A_125 = vector.shape_cast %swap3A_124 : vector<1x1x400x400xf32> to vector<400x400xf32>
    %swap3A_126 = vector.shape_cast %dot_general3A_119 : vector<400x400xf32> to vector<1x1x400x400xf32>
    tpu.vector_store %arg3[%swap3A_120, %swap3A_121, %swap3A_122, %swap3A_123], %swap3A_126 {strides = array<i32>} : memref<1x1x400x400xf32, #tpu.memory_space<vmem>>, vector<1x1x400x400xf32>,
    %broadcast_in_dim3A_127 = vector.shape_cast %squeeze3A_9 : vector<512xf32> to vector<512x1xf32>
    %mul3A_128 = vector.broadcast %broadcast_in_dim3A_127 : vector<512x1xf32> to vector<512x400xf32>
    %mul3A_129 = arith.mulf %select_n3A_87, %mul3A_128 : vector<512x400xf32>
    %dot_general3A_130 = arith.constant dense<0.000000e+00> : vector<400x400xf32>
    %dot_general3A_131 = tpu.matmul %mul3A_129, %convert_element_type3A_92, %dot_general3A_130 {dimension_numbers = #tpu.dot_dimension_numbers<[0], [0], [1], [1], [0, 1, 1, 1], [], []>, transpose_lhs_hint = false} : vector<512x400xf32>, vector<512x400xf32>, vector<400x400xf32> -> vector<400x400xf32>
    %swap3A_132 = arith.constant 0 : index
    %swap3A_133 = arith.constant 0 : index
    %swap3A_134 = arith.constant 0 : index
    %swap3A_135 = arith.constant 0 : index
    %swap3A_136 = vector.load %arg4[%swap3A_132, %swap3A_133, %swap3A_134, %swap3A_135] : memref<1x3x400x400xf32, #tpu.memory_space<vmem>>, vector<1x1x400x400xf32>
    %swap3A_137 = vector.shape_cast %swap3A_136 : vector<1x1x400x400xf32> to vector<400x400xf32>
    %swap3A_138 = vector.shape_cast %dot_general3A_131 : vector<400x400xf32> to vector<1x1x400x400xf32>
    tpu.vector_store %arg4[%swap3A_132, %swap3A_133, %swap3A_134, %swap3A_135], %swap3A_138 {strides = array<i32>} : memref<1x3x400x400xf32, #tpu.memory_space<vmem>>, vector<1x1x400x400xf32>,
    %broadcast_in_dim3A_139 = vector.shape_cast %squeeze3A_11 : vector<512xf32> to vector<512x1xf32>
    %mul3A_140 = vector.broadcast %broadcast_in_dim3A_139 : vector<512x1xf32> to vector<512x400xf32>
    %mul3A_141 = arith.mulf %select_n3A_87, %mul3A_140 : vector<512x400xf32>
    %dot_general3A_142 = arith.constant dense<0.000000e+00> : vector<400x400xf32>
    %dot_general3A_143 = tpu.matmul %mul3A_141, %convert_element_type3A_92, %dot_general3A_142 {dimension_numbers = #tpu.dot_dimension_numbers<[0], [0], [1], [1], [0, 1, 1, 1], [], []>, transpose_lhs_hint = false} : vector<512x400xf32>, vector<512x400xf32>, vector<400x400xf32> -> vector<400x400xf32>
    %swap3A_144 = arith.constant 0 : index
    %swap3A_145 = arith.constant 1 : index
    %swap3A_146 = arith.constant 0 : index
    %swap3A_147 = arith.constant 0 : index
    %swap3A_148 = vector.load %arg4[%swap3A_144, %swap3A_145, %swap3A_146, %swap3A_147] : memref<1x3x400x400xf32, #tpu.memory_space<vmem>>, vector<1x1x400x400xf32>
    %swap3A_149 = vector.shape_cast %swap3A_148 : vector<1x1x400x400xf32> to vector<400x400xf32>
    %swap3A_150 = vector.shape_cast %dot_general3A_143 : vector<400x400xf32> to vector<1x1x400x400xf32>
    tpu.vector_store %arg4[%swap3A_144, %swap3A_145, %swap3A_146, %swap3A_147], %swap3A_150 {strides = array<i32>} : memref<1x3x400x400xf32, #tpu.memory_space<vmem>>, vector<1x1x400x400xf32>,
    %broadcast_in_dim3A_151 = vector.shape_cast %squeeze3A_13 : vector<512xf32> to vector<512x1xf32>
    %mul3A_152 = vector.broadcast %broadcast_in_dim3A_151 : vector<512x1xf32> to vector<512x400xf32>
    %mul3A_153 = arith.mulf %select_n3A_87, %mul3A_152 : vector<512x400xf32>
    %dot_general3A_154 = arith.constant dense<0.000000e+00> : vector<400x400xf32>
    %dot_general3A_155 = tpu.matmul %mul3A_153, %convert_element_type3A_92, %dot_general3A_154 {dimension_numbers = #tpu.dot_dimension_numbers<[0], [0], [1], [1], [0, 1, 1, 1], [], []>, transpose_lhs_hint = false} : vector<512x400xf32>, vector<512x400xf32>, vector<400x400xf32> -> vector<400x400xf32>
    %swap3A_156 = arith.constant 0 : index
    %swap3A_157 = arith.constant 2 : index
    %swap3A_158 = arith.constant 0 : index
    %swap3A_159 = arith.constant 0 : index
    %swap3A_160 = vector.load %arg4[%swap3A_156, %swap3A_157, %swap3A_158, %swap3A_159] : memref<1x3x400x400xf32, #tpu.memory_space<vmem>>, vector<1x1x400x400xf32>
    %swap3A_161 = vector.shape_cast %swap3A_160 : vector<1x1x400x400xf32> to vector<400x400xf32>
    %swap3A_162 = vector.shape_cast %dot_general3A_155 : vector<400x400xf32> to vector<1x1x400x400xf32>
    tpu.vector_store %arg4[%swap3A_156, %swap3A_157, %swap3A_158, %swap3A_159], %swap3A_162 {strides = array<i32>} : memref<1x3x400x400xf32, #tpu.memory_space<vmem>>, vector<1x1x400x400xf32>,
    %sin3A = math.sin %squeeze3A_15 : vector<512xf32>
    %broadcast_in_dim3A_163 = vector.shape_cast %sin3A : vector<512xf32> to vector<512x1xf32>
    %mul3A_164 = vector.broadcast %broadcast_in_dim3A_163 : vector<512x1xf32> to vector<512x400xf32>
    %mul3A_165 = arith.mulf %select_n3A_87, %mul3A_164 : vector<512x400xf32>
    %dot_general3A_166 = arith.constant dense<0.000000e+00> : vector<400x400xf32>
    %dot_general3A_167 = tpu.matmul %mul3A_165, %convert_element_type3A_92, %dot_general3A_166 {dimension_numbers = #tpu.dot_dimension_numbers<[0], [0], [1], [1], [0, 1, 1, 1], [], []>, transpose_lhs_hint = false} : vector<512x400xf32>, vector<512x400xf32>, vector<400x400xf32> -> vector<400x400xf32>
    %swap3A_168 = arith.constant 0 : index
    %swap3A_169 = arith.constant 0 : index
    %swap3A_170 = arith.constant 0 : index
    %swap3A_171 = arith.constant 0 : index
    %swap3A_172 = vector.load %arg5[%swap3A_168, %swap3A_169, %swap3A_170, %swap3A_171] : memref<1x2x400x400xf32, #tpu.memory_space<vmem>>, vector<1x1x400x400xf32>
    %swap3A_173 = vector.shape_cast %swap3A_172 : vector<1x1x400x400xf32> to vector<400x400xf32>
    %swap3A_174 = vector.shape_cast %dot_general3A_167 : vector<400x400xf32> to vector<1x1x400x400xf32>
    tpu.vector_store %arg5[%swap3A_168, %swap3A_169, %swap3A_170, %swap3A_171], %swap3A_174 {strides = array<i32>} : memref<1x2x400x400xf32, #tpu.memory_space<vmem>>, vector<1x1x400x400xf32>,
    %cos3A = math.cos %squeeze3A_15 : vector<512xf32>
    %broadcast_in_dim3A_175 = vector.shape_cast %cos3A : vector<512xf32> to vector<512x1xf32>
    %mul3A_176 = vector.broadcast %broadcast_in_dim3A_175 : vector<512x1xf32> to vector<512x400xf32>
    %mul3A_177 = arith.mulf %select_n3A_87, %mul3A_176 : vector<512x400xf32>
    %dot_general3A_178 = arith.constant dense<0.000000e+00> : vector<400x400xf32>
    %dot_general3A_179 = tpu.matmul %mul3A_177, %convert_element_type3A_92, %dot_general3A_178 {dimension_numbers = #tpu.dot_dimension_numbers<[0], [0], [1], [1], [0, 1, 1, 1], [], []>, transpose_lhs_hint = false} : vector<512x400xf32>, vector<512x400xf32>, vector<400x400xf32> -> vector<400x400xf32>
    %swap3A_180 = arith.constant 0 : index
    %swap3A_181 = arith.constant 1 : index
    %swap3A_182 = arith.constant 0 : index
    %swap3A_183 = arith.constant 0 : index
    %swap3A_184 = vector.load %arg5[%swap3A_180, %swap3A_181, %swap3A_182, %swap3A_183] : memref<1x2x400x400xf32, #tpu.memory_space<vmem>>, vector<1x1x400x400xf32>
    %swap3A_185 = vector.shape_cast %swap3A_184 : vector<1x1x400x400xf32> to vector<400x400xf32>
    %swap3A_186 = vector.shape_cast %dot_general3A_179 : vector<400x400xf32> to vector<1x1x400x400xf32>
    tpu.vector_store %arg5[%swap3A_180, %swap3A_181, %swap3A_182, %swap3A_183], %swap3A_186 {strides = array<i32>} : memref<1x2x400x400xf32, #tpu.memory_space<vmem>>, vector<1x1x400x400xf32>,
    %broadcast_in_dim3A_187 = vector.shape_cast %squeeze3A_17 : vector<512xf32> to vector<512x1xf32>
    %mul3A_188 = vector.broadcast %broadcast_in_dim3A_187 : vector<512x1xf32> to vector<512x400xf32>
    %mul3A_189 = arith.mulf %select_n3A_87, %mul3A_188 : vector<512x400xf32>
    %dot_general3A_190 = arith.constant dense<0.000000e+00> : vector<400x400xf32>
    %dot_general3A_191 = tpu.matmul %mul3A_189, %convert_element_type3A_92, %dot_general3A_190 {dimension_numbers = #tpu.dot_dimension_numbers<[0], [0], [1], [1], [0, 1, 1, 1], [], []>, transpose_lhs_hint = false} : vector<512x400xf32>, vector<512x400xf32>, vector<400x400xf32> -> vector<400x400xf32>
    %swap3A_192 = arith.constant 0 : index
    %swap3A_193 = arith.constant 0 : index
    %swap3A_194 = arith.constant 0 : index
    %swap3A_195 = arith.constant 0 : index
    %swap3A_196 = vector.load %arg6[%swap3A_192, %swap3A_193, %swap3A_194, %swap3A_195] : memref<1x2x400x400xf32, #tpu.memory_space<vmem>>, vector<1x1x400x400xf32>
    %swap3A_197 = vector.shape_cast %swap3A_196 : vector<1x1x400x400xf32> to vector<400x400xf32>
    %swap3A_198 = vector.shape_cast %dot_general3A_191 : vector<400x400xf32> to vector<1x1x400x400xf32>
    tpu.vector_store %arg6[%swap3A_192, %swap3A_193, %swap3A_194, %swap3A_195], %swap3A_198 {strides = array<i32>} : memref<1x2x400x400xf32, #tpu.memory_space<vmem>>, vector<1x1x400x400xf32>,
    %broadcast_in_dim3A_199 = vector.shape_cast %squeeze3A_19 : vector<512xf32> to vector<512x1xf32>
    %mul3A_200 = vector.broadcast %broadcast_in_dim3A_199 : vector<512x1xf32> to vector<512x400xf32>
    %mul3A_201 = arith.mulf %select_n3A_87, %mul3A_200 : vector<512x400xf32>
    %dot_general3A_202 = arith.constant dense<0.000000e+00> : vector<400x400xf32>
    %dot_general3A_203 = tpu.matmul %mul3A_201, %convert_element_type3A_92, %dot_general3A_202 {dimension_numbers = #tpu.dot_dimension_numbers<[0], [0], [1], [1], [0, 1, 1, 1], [], []>, transpose_lhs_hint = false} : vector<512x400xf32>, vector<512x400xf32>, vector<400x400xf32> -> vector<400x400xf32>
    %swap3A_204 = arith.constant 0 : index
    %swap3A_205 = arith.constant 1 : index
    %swap3A_206 = arith.constant 0 : index
    %swap3A_207 = arith.constant 0 : index
    %swap3A_208 = vector.load %arg6[%swap3A_204, %swap3A_205, %swap3A_206, %swap3A_207] : memref<1x2x400x400xf32, #tpu.memory_space<vmem>>, vector<1x1x400x400xf32>
    %swap3A_209 = vector.shape_cast %swap3A_208 : vector<1x1x400x400xf32> to vector<400x400xf32>
    %swap3A_210 = vector.shape_cast %dot_general3A_203 : vector<400x400xf32> to vector<1x1x400x400xf32>
    tpu.vector_store %arg6[%swap3A_204, %swap3A_205, %swap3A_206, %swap3A_207], %swap3A_210 {strides = array<i32>} : memref<1x2x400x400xf32, #tpu.memory_space<vmem>>, vector<1x1x400x400xf32>,
    %dot_general3A_211 = arith.constant dense<0.000000e+00> : vector<400x400xf32>
    %dot_general3A_212 = tpu.matmul %select_n3A_87, %convert_element_type3A_92, %dot_general3A_211 {dimension_numbers = #tpu.dot_dimension_numbers<[0], [0], [1], [1], [0, 1, 1, 1], [], []>, transpose_lhs_hint = false} : vector<512x400xf32>, vector<512x400xf32>, vector<400x400xf32> -> vector<400x400xf32>
    %swap3A_213 = arith.constant 0 : index
    %swap3A_214 = arith.constant 0 : index
    %swap3A_215 = arith.constant 0 : index
    %swap3A_216 = arith.constant 0 : index
    %swap3A_217 = vector.load %arg7[%swap3A_213, %swap3A_214, %swap3A_215, %swap3A_216] : memref<1x1x400x400xf32, #tpu.memory_space<vmem>>, vector<1x1x400x400xf32>
    %swap3A_218 = vector.shape_cast %swap3A_217 : vector<1x1x400x400xf32> to vector<400x400xf32>
    %swap3A_219 = vector.shape_cast %dot_general3A_212 : vector<400x400xf32> to vector<1x1x400x400xf32>
    tpu.vector_store %arg7[%swap3A_213, %swap3A_214, %swap3A_215, %swap3A_216], %swap3A_219 {strides = array<i32>} : memref<1x1x400x400xf32, #tpu.memory_space<vmem>>, vector<1x1x400x400xf32>,
    return
  }
  func.func @transform_0(%arg0: i32) -> (i32, i32, i32) {
    %c0_i32 = arith.constant 0 : i32
    %c0_i32_0 = arith.constant 0 : i32
    %c0_i32_1 = arith.constant 0 : i32
    return %arg0, %c0_i32, %c0_i32_0 : i32, i32, i32
  }
  func.func @transform_1(%arg0: i32) -> (i32, i32, i32, i32) {
    %c0_i32 = arith.constant 0 : i32
    %c0_i32_0 = arith.constant 0 : i32
    %c0_i32_1 = arith.constant 0 : i32
    %c0_i32_2 = arith.constant 0 : i32
    return %arg0, %c0_i32, %c0_i32_0, %c0_i32_1 : i32, i32, i32, i32
  }
  func.func @transform_2(%arg0: i32) -> (i32, i32, i32, i32) {
    %c0_i32 = arith.constant 0 : i32
    %c0_i32_0 = arith.constant 0 : i32
    %c0_i32_1 = arith.constant 0 : i32
    %c0_i32_2 = arith.constant 0 : i32
    return %arg0, %c0_i32, %c0_i32_0, %c0_i32_1 : i32, i32, i32, i32
  }
  func.func @transform_3(%arg0: i32) -> (i32, i32, i32, i32) {
    %c0_i32 = arith.constant 0 : i32
    %c0_i32_0 = arith.constant 0 : i32
    %c0_i32_1 = arith.constant 0 : i32
    %c0_i32_2 = arith.constant 0 : i32
    return %arg0, %c0_i32, %c0_i32_0, %c0_i32_1 : i32, i32, i32, i32
  }
  func.func @transform_4(%arg0: i32) -> (i32, i32, i32, i32) {
    %c0_i32 = arith.constant 0 : i32
    %c0_i32_0 = arith.constant 0 : i32
    %c0_i32_1 = arith.constant 0 : i32
    %c0_i32_2 = arith.constant 0 : i32
    return %arg0, %c0_i32, %c0_i32_0, %c0_i32_1 : i32, i32, i32, i32
  }
  func.func @transform_5(%arg0: i32) -> (i32, i32, i32, i32) {
    %c0_i32 = arith.constant 0 : i32
    %c0_i32_0 = arith.constant 0 : i32
    %c0_i32_1 = arith.constant 0 : i32
    %c0_i32_2 = arith.constant 0 : i32
    return %arg0, %c0_i32, %c0_i32_0, %c0_i32_1 : i32, i32, i32, i32
  }
  func.func @transform_6(%arg0: i32) -> (i32, i32, i32, i32) {
    %c0_i32 = arith.constant 0 : i32
    %c0_i32_0 = arith.constant 0 : i32
    %c0_i32_1 = arith.constant 0 : i32
    %c0_i32_2 = arith.constant 0 : i32
    return %arg0, %c0_i32, %c0_i32_0, %c0_i32_1 : i32, i32, i32, i32
  }
}

</mosaic_0001>

<sc_bundles>
// kernel: kernel.4.cloned.1.call-start
scs
__scs_entry_jumppad:
0x0: {  	(pc) =	sbr.rel $0x88, $3  }
0x1: {  	(tag) =	ssettag $0x0;
	lr =	simm.s32 $0x1  }
0x2: {  	[smem:$0x3FA0] =	sst lr;
	_ =	strace $0xD0000000  }
0x3: {  	_ = 	snop  }
0x4: {  	_ = 	snop  }
0x5: {  	_ = 	snop  }
0x6: {  	_ = 	snop  }
0x7: {  	_ = 	snop  }
__scs_overlays_trampoline_lowered:
0x8: {  	[smem:$0x3FAF] =	sst s0  }
0x9: {  	[smem:$0x3FB0] =	sst s1  }
0xa: {  	[smem:$0x3FB1] =	sst s2  }
0xb: {  	[smem:$0x3FB2] =	sst s3  }
0xc: {  	[smem:$0x3FB3] =	sst s4  }
0xd: {  	[smem:$0x3FB4] =	sst s5  }
0xe: {  	[smem:$0x3FB5] =	sst s6  }
0xf: {  	[smem:$0x3FB6] =	sst s7  }
0x10: {  	[smem:$0x3FB7] =	sst s8  }
0x11: {  	[smem:$0x3FB8] =	sst s9;
	s0 =	simm.s32 @!p0 $0x0  }
0x12: {  	s1 =	sld [smem:$0x3F9E];
	s0 =	simm.s32 @p0 $0x1  }
0x13: {  	[smem:$0x3FB9] =	sst s0;
	s0 =	simm.s32 @!p1 $0x0  }
0x14: {  	s2 =	sld [smem:$0x3F9D];
	s0 =	simm.s32 @p1 $0x1  }
0x15: {  	[smem:$0x3FBA] =	sst s0;
	s0 =	simm.s32 @!p2 $0x0  }
0x16: {  	s3 =	sld [smem:$0x3FDB];
	s0 =	simm.s32 @p2 $0x1  }
0x17: {  	s4 =	simm.s32 $0x1BF5;
	[smem:$0x3FBC] =	sst s0  }
0x18: {  	s0 =	sld [smem:$0x3F9F];
	_ =	swait.ge [sflag:s4], $0x0  }
0x19: {  	s7 =	sld [smem:$0x3FA0]  }
0x1a: {  	s8 =	sadd.s32 $0xFFFFE003, lr  }
0x1b: {  	s9 =	sadd.s32 $0xFFFFFEF7, lr;
	s5 =	simm.s32 $0xFFFFFFFF;
	p2 =	slt.u32 s8, $0xFFFFF086  }
0x1c: {  	p1 =	slt.u32 s9, $0xF7A;
	s5 =	simm.s32 @!p2 $0x0  }
0x1d: {  	s5 =	simm.s32 @p1 $0x1;
	p0 =	seq.s32 s7, s2  }
0x1e: {  	s7 =	smul.u32 @!p0 $0xF7A, s2;
	p2 =	seq.s32 @!p0 s5, $0x0  }
0x1f: {  	s9 =	smul.u32 $0xF7A, s1;
	s8 =	simm.s32 @!p0 $0x1BF5;
	p2 =	por !p2, p0  }
0x20: {  	[sflag:s8] =	ssyncset.s32 @!p0 $0xFFFFF086;
	s6 =	sadd.s32 @!p0 s3, s7;
	s7 =	simm.s32 @!p0 $0x108  }
0x21: {  	s3 =	sadd.s32 s3, s9;
	s6 =	sadd.s32 @!p0 $0x88, s6;
	s7 =	simm.s32 @p2 $0x1082  }
0x22: {  	[simem:s7], [sflag:s8] =	dma.local @!p0 [hbm:s6], $0xF7A  }
0x23: {  	s9 =	sor.u32 $0xD0000000, s2;
	s6 =	simm.s32 $0x108;
	_ =	swait.ge @!p0 [sflag:s8], $0x0  }
0x24: {  	s3 =	sadd.s32 $0x88, s3;
	s6 =	simm.s32 @!p1 $0x1082;
	[sflag:s4] =	ssyncset.s32 $0xFFFFF086  }
0x25: {  	[simem:s6], [sflag:s4] =	dma.local [hbm:s3], $0xF7A  }
0x26: {  	[smem:$0x3FA0] =	sst s1;
	(tag) =	ssettag s2;
	_ =	strace s9  }
0x27: {  	s1 =	sld [smem:$0x3FB0]  }
0x28: {  	s2 =	sld [smem:$0x3FB1]  }
0x29: {  	s4 =	sld [smem:$0x3FB3]  }
0x2a: {  	p0 =	seq.s32 s5, $0x0;
	s5 =	sld [smem:$0x3FB4]  }
0x2b: {  	s6 =	sld [smem:$0x3FB5]  }
0x2c: {  	s7 =	sld [smem:$0x3FB6]  }
0x2d: {  	s3 =	simm.s32 $0x108;
	s8 =	sld [smem:$0x3FB7]  }
0x2e: {  	s3 =	simm.s32 @!p0 $0x1082;
	s9 =	sld [smem:$0x3FB8]  }
0x2f: {  	lr =	sadd.s32 s0, s3;
	s0 =	sld [smem:$0x3FAF]  }
0x30: {  	s3 =	sld [smem:$0x3FB2]  }
0x31: {  	[smem:$0x3FBB] =	sst s10  }
0x32: {  	s10 =	sld [smem:$0x3FB9];
	_ =	sdelay $0x3  }
0x33: {  	p0 =	seq.s32 s10, $0x1;
	s10 =	sld [smem:$0x3FBB];
	_ =	sdelay $0x3  }
0x34: {  	[smem:$0x3FBB] =	sst s10  }
0x35: {  	s10 =	sld [smem:$0x3FBA];
	_ =	sdelay $0x3  }
0x36: {  	p1 =	seq.s32 s10, $0x1;
	s10 =	sld [smem:$0x3FBB];
	_ =	sdelay $0x3  }
0x37: {  	[smem:$0x3FBB] =	sst s10  }
0x38: {  	s10 =	sld [smem:$0x3FBC]  }
0x39: {  	_ = 	snop;
	(pc) =	sbr.ind lr, $3  }
0x3a: {  	_ = 	snop  }
0x3b: {  	_ = 	snop  }
0x3c: {  	p2 =	seq.s32 s10, $0x1;
	s10 =	sld [smem:$0x3FBB]  }
0x3d: {  	_ =	shalt  }
0x3e: {  	_ =	shalt  }
0x3f: {  	_ =	shalt  }
0x40: {  	_ =	shalt  }
0x41: {  	_ =	shalt  }
0x42: {  	_ =	shalt  }
0x43: {  	_ =	shalt  }
0x44: {  	_ =	shalt  }
0x45: {  	_ =	shalt  }
0x46: {  	_ =	shalt  }
0x47: {  	_ =	shalt  }
0x48: {  	_ =	shalt  }
0x49: {  	_ =	shalt  }
0x4a: {  	_ =	shalt  }
0x4b: {  	_ =	shalt  }
0x4c: {  	_ =	shalt  }
0x4d: {  	_ =	shalt  }
0x4e: {  	_ =	shalt  }
0x4f: {  	_ =	shalt  }
0x50: {  	_ =	shalt  }
0x51: {  	_ =	shalt  }
0x52: {  	_ =	shalt  }
0x53: {  	_ =	shalt  }
0x54: {  	_ =	shalt  }
0x55: {  	_ =	shalt  }
0x56: {  	_ =	shalt  }
0x57: {  	_ =	shalt  }
0x58: {  	_ =	shalt  }
0x59: {  	_ =	shalt  }
0x5a: {  	_ =	shalt  }
0x5b: {  	_ =	shalt  }
0x5c: {  	_ =	shalt  }
0x5d: {  	_ =	shalt  }
0x5e: {  	_ =	shalt  }
0x5f: {  	_ =	shalt  }
0x60: {  	_ =	shalt  }
0x61: {  	_ =	shalt  }
0x62: {  	_ =	shalt  }
0x63: {  	_ =	shalt  }
0x64: {  	_ =	shalt  }
0x65: {  	_ =	shalt  }
0x66: {  	_ =	shalt  }
0x67: {  	_ =	shalt  }
0x68: {  	_ =	shalt  }
0x69: {  	_ =	shalt  }
0x6a: {  	_ =	shalt  }
0x6b: {  	_ =	shalt  }
0x6c: {  	_ =	shalt  }
0x6d: {  	_ =	shalt  }
0x6e: {  	_ =	shalt  }
0x6f: {  	_ =	shalt  }
0x70: {  	_ =	shalt  }
0x71: {  	_ =	shalt  }
0x72: {  	_ =	shalt  }
0x73: {  	_ =	shalt  }
0x74: {  	_ =	shalt  }
0x75: {  	_ =	shalt  }
0x76: {  	_ =	shalt  }
0x77: {  	_ =	shalt  }
0x78: {  	_ =	shalt  }
0x79: {  	_ =	shalt  }
0x7a: {  	_ =	shalt  }
0x7b: {  	_ =	shalt  }
0x7c: {  	_ =	shalt  }
0x7d: {  	_ =	shalt  }
0x7e: {  	_ =	shalt  }
0x7f: {  	_ =	shalt  }
0x80: {  	_ =	shalt  }
0x81: {  	_ =	shalt  }
0x82: {  	_ =	shalt  }
0x83: {  	_ =	shalt  }
0x84: {  	_ =	shalt  }
0x85: {  	_ =	shalt  }
0x86: {  	_ =	shalt  }
0x87: {  	_ =	shalt  }
.Lfunc_end0:
.L_simem_size_0:
called_computation_lowered:
.L_overlay_start_0:
0x88: {  	s2 =	sld [smem:$0x3FD9]  }
0x89: {  	s3 =	sld [smem:$0x3FFE];
	_ =	sdelay $0x1  }
0x8a: {  	s1 =	srdreg.scid  }
0x8b: {  	s0 =	sand.u32 $0x1, s1  }
0x8c: {  	s16 =	sshll.u32 s0, $0xA;
	s2 =	sadd.s32 s3, s2  }
0x8d: {  	s2 =	sadd.s32 s2, s16  }
0x8e: {  	[smem:$0x3FC7] =	sst s2  }
0x8f: {  	_ = 	snop  }
0x90: {  	(tm) =	ssettm $0x1  }
0x91: {  	s17 =	sld [smem:$0x3FFB];
	_ =	sdelay $0x3  }
0x92: {  	_ =	strace s17  }
0x93: {  	s2 =	sld [smem:$0x3FFC];
	_ =	sdelay $0x3  }
0x94: {  	_ =	strace s2  }
0x95: {  	s2 =	sld [smem:$0x3FFD];
	_ =	sdelay $0x3  }
0x96: {  	_ =	strace s2  }
0x97: {  	_ =	strace $0x8FFFFFFF  }
0x98: {  	s18 =	sld [smem:$0x3FDB];
	_ =	sdelay $0x1  }
0x99: {  	s19 =	simm.s32 $_scs_section_size  }
0x9a: {  	s4 =	simm.s32 $_size__tile_overlayer_lowered;
	s5 =	simm.s32 $_tile_overlayer_lowered  }
0x9b: {  	s22 =	simm.s32 $0x1BFF;
	s21 =	sshll.u32 s5, $0x1;
	s2 =	sadd.s32 s19, s18  }
0x9c: {  	s6 =	simm.s32 $0x0;
	s20 =	sshll.u32 s4, $0x1;
	s4 =	sadd.s32 s21, s2  }
0x9d: {  	[timem:s6], [sflag:s22] =	dma.local [hbm:s4], s20  }
0x9e: {  	_ =	swait.ge [sflag:s22], s20  }
0x9f: {  	s3 =	ssub.s32 $0x0, s20;
	[sflag:s22] =	ssyncset.done $0x0  }
0xa0: {  	[sflag:s22] =	ssyncadd.s32 s3;
	_ =	sdelay $0x1  }
0xa1: {  	s23 =	simm.s32 $0x1B8B  }
0xa2: {  	_ =	swait.ge [sflag:s23], $0x1  }
0xa3: {  	[sflag:s23] =	ssyncset.done $0x0  }
0xa4: {  	s25 =	simm.s32 $0x1B8E;
	s24 =	sld [smem:$0x3FFE];
	[sflag:s23] =	ssyncadd.s32 $0xFFFFFFFF  }
0xa5: {  	s26 =	simm.s32 $execute0_lowered;
	[smem:$0x3FD2] =	sst s25  }
0xa6: {  	s4 =	sshll.u32 s26, $0x1;
	_ =	strace $0x80000046;
	[dreg:$0x1] =	wrdreg $0xFFFFFFFF  }
0xa7: {  	s28 =	simm.s32 $_size_execute0_lowered;
	s2 =	sadd.s32 s2, s4;
	[dreg:$0x0] =	wrdreg $0x0  }
0xa8: {  	s4 =	sshll.u32 s28, $0x1;
	[dreg:$0x2] =	wrdreg s2  }
0xa9: {  	[dreg:$0x3] =	wrdreg s4  }
0xaa: {  	[dreg:$0x4] =	wrdreg $0xC0  }
0xab: {  	_ =	task [dreg:s6], $0x5FFFF  }
0xac: {  	[dreg:$0x1] =	wrdreg $0xFFFFFFFF  }
0xad: {  	[dreg:$0x0] =	wrdreg $0x60  }
0xae: {  	[dreg:$0x2] =	wrdreg s24  }
0xaf: {  	[dreg:$0x3] =	wrdreg $0x9  }
0xb0: {  	_ =	task.clear_ibuf [dreg:s6], $0x4FFFF;
	_ =	strace $0x90000046  }
0xb1: {  	s29 =	simm.s32 $0x9;
	_ =	strace $0x80000048  }
0xb2: {  	_ =	swait.ge [sflag:s29], $0x1  }
0xb3: {  	[sflag:s29] =	ssyncadd.s32 $0xFFFFFFFF  }
0xb4: {  	_ =	strace $0x90000048  }
0xb5: {  	_ =	sfence  }
0xb6: {  	s30 =	sld [smem:$0x0];
	_ =	sdelay $0x2  }
0xb7: {  	s31 =	sshll.u32 s1, $0xD;
	s1 =	sshrl.u32 s1, $0x2  }
0xb8: {  	s3 =	sand.u32 $0x4000, s31;
	s1 =	sadd.s32 s1, s30  }
0xb9: {  	s0 =	sor.u32 s3, s0;
	s1 =	sshll.u32 s1, $0x11  }
0xba: {  	s0 =	sor.u32 s1, s0  }
0xbb: {  	s0 =	sadd.s32 $0x8F2B, s0  }
0xbc: {  	[sflag:s0] =	ssyncadd.remote.s32 $0x1  }
0xbd: {  	_ =	sfence.sel $0xFFFF  }
0xbe: {  	[dreg:$0x0] =	wrdreg $0xFFFFFFFF;
	(pc) =	sbr.abs _section_cstart, $3  }
0xbf: {  	[dreg:$0x1] =	wrdreg $0xFFFFFFFF  }
0xc0: {  	_ =	task.clear_ibuf [dreg:s6], $0x2FFFF;
	_ =	strace $0x9FFFFFFF  }
0xc1: {  	(tm) =	ssettm $0x7FFFFFFF  }
tec
execute0_lowered:
.L_overlay_start_1:
0x0: {  	(tag) =	ssettag $0x1  }
0x1: {  	s1 =	srdreg.scid;
	s0 =	stileid.u32  }
0x2: {  	s3 =	sand.u32 $0x1, s1;
	s30 =	sshll.u32 s0, $0x1  }
0x3: {  	s1 =	sor.u32 s3, s30  }
0x4: {  	s4 =	rddreg [dreg:$0x0];
	s2 =	simm.s32 $0x0;
	s5 =	smul.u32 $0x27100, s1  }
0x5: {  	s14 =	simm.s32 $0x1;
	s15 =	simm.s32 $0x0;
	s3 =	ssub.s32 $0x2, s3  }
0x6: {  	[smem:$0x7FF] =	sst s2;
	s31 =	sshrl.u32 s3, $0x1;
	s5 =	sshrl.u32 s5, $0x3  }
0x7: {  	s1 =	rddreg [dreg:$0x1];
	s13 =	ssub.s32 s3, s31;
	s12 =	sadd.s32 s5, s4  }
0x8: {  	_ =	strace $0x80000047;
	s13 =	smax.u32 s13, $0x1;
	s3 =	sadd.s32 $0x800, s12  }
0x9: {  	s4 =	sadd.s32 $0xFD0, s12;
	s5 =	sadd.s32 $0x17A0, s12;
	s6 =	sadd.s32 $0x1F70, s12  }
0xa: {  	s7 =	sadd.s32 $0x2740, s12;
	s8 =	sadd.s32 $0x2F10, s12;
	s9 =	sadd.s32 $0x36E0, s12  }
0xb: {  	v0 =	vimm.f32 $0.0e+00;
	s10 =	sadd.s32 $0x3EB0, s12;
	s11 =	sadd.s32 $0x4680, s12;
	s12 =	sadd.s32 $0x4E50, s12  }
.LBB2_1:
0xc: {  	s16 =	simm.s32 $0x40;
	s17 =	simm.s32 $0x0  }
.LBB2_2:
0xd: {  	p0 =	sne.s32 s16, $0xF9C0;
	[tilespmem:s17+$0x0] =	vst v0;
	s17 =	smov.u32 s16;
	s16 =	sadd.s32 $0x40, s16  }
.Ltmp0:
0xe: {  	(pc) =	sbr.rel @p0 .LBB2_2-.Ltmp0, $2  }
0xf: {  	_ =	sdelay $0x2  }
0x10: {  	s17 =	sshra.s32 s17, $0x2  }
0x11: {  	[tilespmem:s17+$0x0] =	vst v0  }
0x12: {  	[hbm4b:s3+s2] =	stream.linear.scatter [tilespmem:s2], [sflag:$0x1], $0x3E80, $0x38;
	[tilespmem:$0x3E80] =	vst v63  }
0x13: {  	_ = 	snop  }
0x14: {  	[hbm4b:s4+s2] =	stream.linear.scatter [tilespmem:s2], [sflag:$0x1], $0x3E80, $0x38;
	[tilespmem:$0x3E80] =	vst v63  }
0x15: {  	_ = 	snop  }
0x16: {  	[hbm4b:s5+s2] =	stream.linear.scatter [tilespmem:s2], [sflag:$0x1], $0x3E80, $0x38;
	[tilespmem:$0x3E80] =	vst v63  }
0x17: {  	_ = 	snop  }
0x18: {  	[hbm4b:s6+s2] =	stream.linear.scatter [tilespmem:s2], [sflag:$0x1], $0x3E80, $0x38;
	[tilespmem:$0x3E80] =	vst v63  }
0x19: {  	_ = 	snop  }
0x1a: {  	[hbm4b:s7+s2] =	stream.linear.scatter [tilespmem:s2], [sflag:$0x1], $0x3E80, $0x38;
	[tilespmem:$0x3E80] =	vst v63  }
0x1b: {  	_ = 	snop  }
0x1c: {  	[hbm4b:s8+s2] =	stream.linear.scatter [tilespmem:s2], [sflag:$0x1], $0x3E80, $0x38;
	[tilespmem:$0x3E80] =	vst v63  }
0x1d: {  	_ = 	snop  }
0x1e: {  	[hbm4b:s9+s2] =	stream.linear.scatter [tilespmem:s2], [sflag:$0x1], $0x3E80, $0x38;
	[tilespmem:$0x3E80] =	vst v63  }
0x1f: {  	_ = 	snop  }
0x20: {  	[hbm4b:s10+s2] =	stream.linear.scatter [tilespmem:s2], [sflag:$0x1], $0x3E80, $0x38;
	[tilespmem:$0x3E80] =	vst v63  }
0x21: {  	_ = 	snop  }
0x22: {  	[hbm4b:s11+s2] =	stream.linear.scatter [tilespmem:s2], [sflag:$0x1], $0x3E80, $0x38;
	[tilespmem:$0x3E80] =	vst v63  }
0x23: {  	_ = 	snop  }
0x24: {  	[hbm4b:s12+s2] =	stream.linear.scatter [tilespmem:s2], [sflag:$0x1], $0x3E80, $0x38;
	[tilespmem:$0x3E80] =	vst v63  }
0x25: {  	_ =	swait.ge [sflag:s14], $0x3E80  }
0x26: {  	[sflag:s14] =	ssyncset.done $0x0  }
0x27: {  	[sflag:s14] =	ssyncadd.s32 $0xFFFFC180  }
0x28: {  	_ =	swait.ge [sflag:s14], $0x3E80  }
0x29: {  	[sflag:s14] =	ssyncset.done $0x0  }
0x2a: {  	[sflag:s14] =	ssyncadd.s32 $0xFFFFC180  }
0x2b: {  	_ =	swait.ge [sflag:s14], $0x3E80  }
0x2c: {  	[sflag:s14] =	ssyncset.done $0x0  }
0x2d: {  	[sflag:s14] =	ssyncadd.s32 $0xFFFFC180  }
0x2e: {  	_ =	swait.ge [sflag:s14], $0x3E80  }
0x2f: {  	[sflag:s14] =	ssyncset.done $0x0  }
0x30: {  	[sflag:s14] =	ssyncadd.s32 $0xFFFFC180  }
0x31: {  	_ =	swait.ge [sflag:s14], $0x3E80  }
0x32: {  	[sflag:s14] =	ssyncset.done $0x0  }
0x33: {  	[sflag:s14] =	ssyncadd.s32 $0xFFFFC180  }
0x34: {  	_ =	swait.ge [sflag:s14], $0x3E80  }
0x35: {  	[sflag:s14] =	ssyncset.done $0x0  }
0x36: {  	[sflag:s14] =	ssyncadd.s32 $0xFFFFC180  }
0x37: {  	_ =	swait.ge [sflag:s14], $0x3E80  }
0x38: {  	[sflag:s14] =	ssyncset.done $0x0  }
0x39: {  	[sflag:s14] =	ssyncadd.s32 $0xFFFFC180  }
0x3a: {  	_ =	swait.ge [sflag:s14], $0x3E80  }
0x3b: {  	[sflag:s14] =	ssyncset.done $0x0  }
0x3c: {  	s15 =	sadd.s32 $0x1, s15;
	[sflag:s14] =	ssyncadd.s32 $0xFFFFC180  }
0x3d: {  	p0 =	sne.s32 s15, s13;
	_ =	swait.ge [sflag:s14], $0x3E80  }
.Ltmp1:
0x3e: {  	[sflag:s14] =	ssyncset.done $0x0;
	(pc) =	sbr.rel @p0 .LBB2_1-.Ltmp1, $4  }
0x3f: {  	[sflag:s14] =	ssyncadd.s32 $0xFFFFC180  }
0x40: {  	_ =	swait.ge [sflag:s14], $0x3E80  }
0x41: {  	[sflag:s14] =	ssyncset.done $0x0  }
0x42: {  	[sflag:s14] =	ssyncadd.s32 $0xFFFFC180  }
0x43: {  	_ =	sfence.sel $0x180000  }
0x44: {  	[bflag:$0x0] =	sbarrier.arrive $0xFFFF  }
0x45: {  	p0 =	sne.s32 s0, $0x0;
	_ =	strace $0x90000047  }
0x46: {  	s0 =	sadd.s32 @!p0 $0x100000, s1;
	[bflag:$0x2] =	sbarrier.arrive $0xFFFF  }
0x47: {  	[sflag:s0] =	ssyncadd.tile.s32 @!p0 $0x1;
	_ =	shalt  }
.Lfunc_end2:
_tile_overlayer_lowered:
.L_overlay_start_2:
0x48: {  	(tag) =	ssettag $0x2  }
0x49: {  	s0 =	rddreg [dreg:$0x0];
	s2 =	stileid.u32  }
0x4a: {  	s1 =	rddreg [dreg:$0x1];
	p0 =	sne.s32 s2, $0x0  }
0x4b: {  	s3 =	rddreg [dreg:$0x2];
	[bflag:$0x3] =	sbarrier.arrive $0xFFFF;
	s2 =	simm.s32 @!p0 $0x1C02  }
0x4c: {  	[timem:s3], [sflag:s2] =	dma.local @!p0 [hbm:s0], s1  }
0x4d: {  	s0 =	simm.s32 @!p0 $0x2  }
0x4e: {  	_ =	swait.ge @!p0 [sflag:s0], s1  }
0x4f: {  	s1 =	ssub.s32 @!p0 $0x0, s1;
	[sflag:s0] =	ssyncset.done @!p0 $0x0  }
0x50: {  	[sflag:s0] =	ssyncadd.s32 @!p0 s1  }
0x51: {  	[bflag:$0x3] =	sbarrier.arrive $0xFFFF  }
0x52: {  	_ =	shalt  }

</sc_bundles>
